<compile_context>
chip_gen: v7x
topology: tpu7x:2x2x1
jax: 0.10.2.dev20260603
libtpu: 0.0.44.dev20260713+nightly
codegen_flags: <defaults>
</compile_context>

<pallas_src>
import jax
import jax.numpy as jnp
from jax import lax
from jax.experimental import pallas as pl
from jax.experimental.pallas import tpu as pltpu
from jax.experimental.pallas import tpu_sc as plsc

_N0, _N1, _D0, _D1, _DF, _KC = 16384, 4096, 128, 256, 128, 13
_B0 = 512
_NB0 = _N0 // _B0
_B1 = 512
_NB1 = _N1 // _B1

_NW = 32
_RPW = _N0 // _NW
_CHUNK = 128
_NCH = _RPW // _CHUNK

_BF = jnp.bfloat16
_F32 = jnp.float32


def _mlp_nn_body(p0_ref, p1t_ref, x0_ref, w0_ref, b0_ref, f0_ref, idx_ref):
    f0 = jnp.dot(x0_ref[...].astype(_BF), w0_ref[...].astype(_BF),
                 preferred_element_type=_F32)
    f0_ref[...] = jnp.maximum(f0 + b0_ref[...], 0.0).astype(_BF).astype(_F32)
    p0b = p0_ref[...]
    p1b = p1t_ref[...]
    px, py, pz = p0b[:, 0:1], p0b[:, 1:2], p0b[:, 2:3]
    qx, qy, qz = p1b[0:1, :], p1b[1:2, :], p1b[2:3, :]
    p0sq = (px * px + pz * pz) + py * py
    p1sq = (qx * qx + qz * qz) + qy * qy
    dot2 = jnp.dot(p0b * 2.0, p1b, preferred_element_type=_F32)
    d = (p0sq - dot2) + p1sq
    minv = jnp.min(d, axis=1, keepdims=True)
    iota = lax.broadcasted_iota(jnp.int32, d.shape, 1)
    cand = jnp.where(d == minv, iota, jnp.int32(_N1))
    idx_ref[...] = jnp.min(cand, axis=1, keepdims=True)


def _mlp1_body(x1_ref, w1_ref, b1_ref, f1_ref):
    f1 = jnp.dot(x1_ref[...].astype(_BF), w1_ref[...].astype(_BF),
                 preferred_element_type=_F32)
    f1_ref[...] = jnp.maximum(f1 + b1_ref[...], 0.0).astype(_BF).astype(_F32)


def _head_body(f0_ref, up1_ref, wc_ref, bc_ref, out_ref):
    xcat = jnp.concatenate([f0_ref[...], up1_ref[...]], axis=1).astype(_BF)
    out = jnp.dot(xcat, wc_ref[...].astype(_BF), preferred_element_type=_F32)
    out_ref[...] = out + bc_ref[...]


def _sc_gather_body(f1_hbm, idx_hbm, up1_hbm, idx_v, rows_v, sem):
    wid = lax.axis_index("s") * 2 + lax.axis_index("c")
    pltpu.sync_copy(idx_hbm.at[pl.ds(wid * _NCH, _NCH)], idx_v)
    descs = [
        pltpu.async_copy(
            f1_hbm.at[idx_v.at[t]],
            rows_v.at[pl.ds(t * _CHUNK, _CHUNK)],
            sem,
        )
        for t in range(_NCH)
    ]
    for d_ in descs:
        d_.wait()
    pltpu.sync_copy(rows_v, up1_hbm.at[pl.ds(wid * _RPW, _RPW)])


def kernel(p0, x0, p1, x1, W0, b0, W1, b1, Wc, bc):
    p0p = jnp.pad(p0, ((0, 0), (0, 5)))
    p1t = jnp.pad(p1, ((0, 0), (0, 5))).T
    b0r = b0.reshape(1, _DF)
    b1r = b1.reshape(1, _DF)
    bcr = bc.reshape(1, _KC)

    f0, idx = pl.pallas_call(
        _mlp_nn_body,
        grid=(_NB0,),
        in_specs=[
            pl.BlockSpec((_B0, 8), lambda i: (i, 0)),
            pl.BlockSpec((8, _N1), lambda i: (0, 0)),
            pl.BlockSpec((_B0, _D0), lambda i: (i, 0)),
            pl.BlockSpec((_D0, _DF), lambda i: (0, 0)),
            pl.BlockSpec((1, _DF), lambda i: (0, 0)),
        ],
        out_specs=[
            pl.BlockSpec((_B0, _DF), lambda i: (i, 0)),
            pl.BlockSpec((_B0, 1), lambda i: (i, 0)),
        ],
        out_shape=[
            jax.ShapeDtypeStruct((_N0, _DF), jnp.float32),
            jax.ShapeDtypeStruct((_N0, 1), jnp.int32),
        ],
    )(p0p, p1t, x0, W0, b0r)

    f1 = pl.pallas_call(
        _mlp1_body,
        grid=(_NB1,),
        in_specs=[
            pl.BlockSpec((_B1, _D1), lambda i: (i, 0)),
            pl.BlockSpec((_D1, _DF), lambda i: (0, 0)),
            pl.BlockSpec((1, _DF), lambda i: (0, 0)),
        ],
        out_specs=pl.BlockSpec((_B1, _DF), lambda i: (i, 0)),
        out_shape=jax.ShapeDtypeStruct((_N1, _DF), jnp.float32),
    )(x1, W1, b1r)

    idx2d = idx.reshape(_NW * _NCH, _CHUNK)

    mesh = plsc.VectorSubcoreMesh(core_axis_name="c", subcore_axis_name="s")
    up1 = pl.kernel(
        _sc_gather_body,
        out_type=jax.ShapeDtypeStruct((_N0, _DF), jnp.float32),
        mesh=mesh,
        scratch_types=[
            pltpu.VMEM((_NCH, _CHUNK), jnp.int32),
            pltpu.VMEM((_RPW, _DF), jnp.float32),
            pltpu.SemaphoreType.DMA,
        ],
    )(f1, idx2d)

    out = pl.pallas_call(
        _head_body,
        grid=(_NB0,),
        in_specs=[
            pl.BlockSpec((_B0, _DF), lambda i: (i, 0)),
            pl.BlockSpec((_B0, _DF), lambda i: (i, 0)),
            pl.BlockSpec((2 * _DF, _KC), lambda i: (0, 0)),
            pl.BlockSpec((1, _KC), lambda i: (0, 0)),
        ],
        out_specs=pl.BlockSpec((_B0, _KC), lambda i: (i, 0)),
        out_shape=jax.ShapeDtypeStruct((_N0, _KC), jnp.float32),
    )(f0, up1, Wc, bcr)
    return out

# --- scband reference (transcript-rebuilt; emitter-appended) ---
"""Pipeline reference for scband-multi-head-32298154066764 (READ-ONLY COPY).

The authoritative reference and input builder live on the scoring server;
editing this copy changes nothing except your own understanding.
"""

import jax, jax.numpy as jnp
import numpy as np

N0, N1, D0, D1, DF, K_CLS = 16384, 4096, 128, 256, 128, 13


def setup_inputs(seed: int = 0) -> dict:
    key = jax.random.key(seed)
    ks = jax.random.split(key, 9)
    p0 = jax.random.uniform(ks[0], (N0, 3), dtype=jnp.float32)
    x0 = jax.random.normal(ks[1], (N0, D0), dtype=jnp.float32)
    p1 = jax.random.uniform(ks[2], (N1, 3), dtype=jnp.float32)
    x1 = jax.random.normal(ks[3], (N1, D1), dtype=jnp.float32)
    W0 = jax.random.normal(ks[4], (D0, DF), dtype=jnp.float32) / np.sqrt(D0)
    b0 = jnp.zeros((DF,), dtype=jnp.float32)
    W1 = jax.random.normal(ks[5], (D1, DF), dtype=jnp.float32) / np.sqrt(D1)
    b1 = jnp.zeros((DF,), dtype=jnp.float32)
    Wc = jax.random.normal(ks[6], (2 * DF, K_CLS), dtype=jnp.float32) / np.sqrt(2 * DF)
    bc = jnp.zeros((K_CLS,), dtype=jnp.float32)
    return {"p0": p0, "x0": x0, "p1": p1, "x1": x1, "W0": W0, "b0": b0, "W1": W1, "b1": b1, "Wc": Wc, "bc": bc}


def _nearest_idx(points_from, points_to):
    # For each point in points_to, index of nearest neighbor in points_from (k=1 cKDTree.query)
    d = (jnp.sum(points_to ** 2, axis=1, keepdims=True)
         - 2.0 * points_to @ points_from.T
         + jnp.sum(points_from ** 2, axis=1)[None, :])
    return jnp.argmin(d, axis=1)


def reference(p0, x0, p1, x1, W0, b0, W1, b1, Wc, bc):
    # Per-stage MLP (func(stage, 'f_out'))
    f0 = jax.nn.relu(x0 @ W0 + b0)
    f1 = jax.nn.relu(x1 @ W1 + b1)
    # upsample: stage 0 passes through; stage 1 kNN-interpolated (k=1) to base points p0
    idx = _nearest_idx(p1, p0)          # [N0]
    up1 = jnp.take(f1, idx, axis=0)     # gather; mean over k=1 neighbors is identity
    # combine = concat, then linear classifier
    x = jnp.concatenate([f0, up1], axis=1)
    out = x @ Wc + bc
    return out

if __name__ == "__main__":
    import jax
    _d = setup_inputs()
    print(jax.jit(kernel)(*tuple(_d.values())))

</pallas_src>

<mosaic_0001>
#map = affine_map<(d0, d1) -> (0, 0)>
module attributes {stable_mosaic.version = 14 : i64} {
  func.func @_sc_gather_body(%arg0: i32, %arg1: i32, %arg2: memref<4096x128xf32, #tpu.memory_space<hbm>>, %arg3: memref<128x128xi32, #tpu.memory_space<hbm>>, %arg4: memref<16384x128xf32, #tpu.memory_space<hbm>>, %arg5: memref<4x128xi32, #tpu.memory_space<vmem>>, %arg6: memref<512x128xf32, #tpu.memory_space<vmem>>, %arg7: memref<!tpu.dma_semaphore, #tpu.memory_space<semaphore_mem>>) attributes {dimension_semantics = [#tpu.dimension_semantics<core_parallel>, #tpu.dimension_semantics<subcore_parallel>], iteration_bounds = array<i64: 2, 16>, scalar_prefetch = 0 : i64, scratch_operands = 3 : i64, tpu.core_type = #tpu.core_type<sc_vector_subcore>, window_params = [{transform_indices = #map}, {transform_indices = #map}, {transform_indices = #map}]} {
    %mul3A = arith.constant 2 : i32
    %mul3A_0 = arith.muli %arg1, %mul3A : i32
    %add3A = arith.addi %mul3A_0, %arg0 : i32
    %mul3A_1 = arith.constant 4 : i32
    %mul3A_2 = arith.muli %add3A, %mul3A_1 : i32
    "tpu.region"() ({
      %run_scoped3A = tpu.sem_alloc : memref<!tpu.dma_semaphore, #tpu.memory_space<semaphore_mem>>
      %dma_start3A_83 = arith.constant 0 : i32
      %dma_start3A_84 = tpu.memref_slice %arg3[%mul3A_2, %dma_start3A_83] : memref<128x128xi32, #tpu.memory_space<hbm>> -> memref<4x128xi32, #tpu.memory_space<hbm>>
      %dma_start3A_85 = arith.constant 0 : i32
      %dma_start3A_86 = tpu.memref_slice %arg3[%mul3A_2, %dma_start3A_85] : memref<128x128xi32, #tpu.memory_space<hbm>> -> memref<4x128xi32, #tpu.memory_space<hbm>>
      tpu.enqueue_dma source(%dma_start3A_86 : memref<4x128xi32, #tpu.memory_space<hbm>>) target(%arg5 : memref<4x128xi32, #tpu.memory_space<vmem>>) target_semaphore(%run_scoped3A : memref<!tpu.dma_semaphore, #tpu.memory_space<semaphore_mem>>)
      %dma_wait3A_87 = arith.constant 0 : i32
      %dma_wait3A_88 = tpu.memref_slice %arg3[%mul3A_2, %dma_wait3A_87] : memref<128x128xi32, #tpu.memory_space<hbm>> -> memref<4x128xi32, #tpu.memory_space<hbm>>
      %dma_wait3A_89 = arith.constant 0 : i32
      %dma_wait3A_90 = tpu.memref_slice %arg3[%mul3A_2, %dma_wait3A_89] : memref<128x128xi32, #tpu.memory_space<hbm>> -> memref<4x128xi32, #tpu.memory_space<hbm>>
      tpu.wait_dma2 semaphore(%run_scoped3A : memref<!tpu.dma_semaphore, #tpu.memory_space<semaphore_mem>>) src(%dma_wait3A_90 : memref<4x128xi32, #tpu.memory_space<hbm>>) dst(%arg5 : memref<4x128xi32, #tpu.memory_space<vmem>>)
      tpu.yield
    }) : () -> ()
    %dma_start3A = arith.constant 0 : i32
    %dma_start3A_3 = arith.constant 0 : i32
    %dma_start3A_4 = arith.constant 0 : i32
    %dma_start3A_5 = tpu.memref_slice %arg6[%dma_start3A_3, %dma_start3A_4] : memref<512x128xf32, #tpu.memory_space<vmem>> -> memref<128x128xf32, #tpu.memory_space<vmem>>
    %dma_start3A_6 = arith.constant 0 : i32
    %dma_start3A_7 = tpu.memref_slice %arg5[%dma_start3A, %dma_start3A_6] : memref<4x128xi32, #tpu.memory_space<vmem>> -> memref<1x128xi32, #tpu.memory_space<vmem>>
    %dma_start3A_8 = tpu.memref_squeeze %dma_start3A_7 : memref<1x128xi32, #tpu.memory_space<vmem>> -> memref<128xi32, #tpu.memory_space<vmem>>
    %dma_start3A_9 = arith.constant 0 : i32
    %dma_start3A_10 = arith.constant 0 : i32
    %dma_start3A_11 = tpu.memref_slice %arg2[%dma_start3A_9, %dma_start3A_10] : memref<4096x128xf32, #tpu.memory_space<hbm>> -> memref<4096x128xf32, #tpu.memory_space<hbm>>
    tpu.enqueue_indirect_dma source(%dma_start3A_11 : memref<4096x128xf32, #tpu.memory_space<hbm>>) target(%dma_start3A_5 : memref<128x128xf32, #tpu.memory_space<vmem>>) offsets(%dma_start3A_8 : memref<128xi32, #tpu.memory_space<vmem>>) semaphore(%arg7 : memref<!tpu.dma_semaphore, #tpu.memory_space<semaphore_mem>>)
    %dma_start3A_12 = arith.constant 1 : i32
    %dma_start3A_13 = arith.constant 128 : i32
    %dma_start3A_14 = arith.constant 0 : i32
    %dma_start3A_15 = tpu.memref_slice %arg6[%dma_start3A_13, %dma_start3A_14] : memref<512x128xf32, #tpu.memory_space<vmem>> -> memref<128x128xf32, #tpu.memory_space<vmem>>
    %dma_start3A_16 = arith.constant 0 : i32
    %dma_start3A_17 = tpu.memref_slice %arg5[%dma_start3A_12, %dma_start3A_16] : memref<4x128xi32, #tpu.memory_space<vmem>> -> memref<1x128xi32, #tpu.memory_space<vmem>>
    %dma_start3A_18 = tpu.memref_squeeze %dma_start3A_17 : memref<1x128xi32, #tpu.memory_space<vmem>> -> memref<128xi32, #tpu.memory_space<vmem>>
    %dma_start3A_19 = arith.constant 0 : i32
    %dma_start3A_20 = arith.constant 0 : i32
    %dma_start3A_21 = tpu.memref_slice %arg2[%dma_start3A_19, %dma_start3A_20] : memref<4096x128xf32, #tpu.memory_space<hbm>> -> memref<4096x128xf32, #tpu.memory_space<hbm>>
    tpu.enqueue_indirect_dma source(%dma_start3A_21 : memref<4096x128xf32, #tpu.memory_space<hbm>>) target(%dma_start3A_15 : memref<128x128xf32, #tpu.memory_space<vmem>>) offsets(%dma_start3A_18 : memref<128xi32, #tpu.memory_space<vmem>>) semaphore(%arg7 : memref<!tpu.dma_semaphore, #tpu.memory_space<semaphore_mem>>)
    %dma_start3A_22 = arith.constant 2 : i32
    %dma_start3A_23 = arith.constant 256 : i32
    %dma_start3A_24 = arith.constant 0 : i32
    %dma_start3A_25 = tpu.memref_slice %arg6[%dma_start3A_23, %dma_start3A_24] : memref<512x128xf32, #tpu.memory_space<vmem>> -> memref<128x128xf32, #tpu.memory_space<vmem>>
    %dma_start3A_26 = arith.constant 0 : i32
    %dma_start3A_27 = tpu.memref_slice %arg5[%dma_start3A_22, %dma_start3A_26] : memref<4x128xi32, #tpu.memory_space<vmem>> -> memref<1x128xi32, #tpu.memory_space<vmem>>
    %dma_start3A_28 = tpu.memref_squeeze %dma_start3A_27 : memref<1x128xi32, #tpu.memory_space<vmem>> -> memref<128xi32, #tpu.memory_space<vmem>>
    %dma_start3A_29 = arith.constant 0 : i32
    %dma_start3A_30 = arith.constant 0 : i32
    %dma_start3A_31 = tpu.memref_slice %arg2[%dma_start3A_29, %dma_start3A_30] : memref<4096x128xf32, #tpu.memory_space<hbm>> -> memref<4096x128xf32, #tpu.memory_space<hbm>>
    tpu.enqueue_indirect_dma source(%dma_start3A_31 : memref<4096x128xf32, #tpu.memory_space<hbm>>) target(%dma_start3A_25 : memref<128x128xf32, #tpu.memory_space<vmem>>) offsets(%dma_start3A_28 : memref<128xi32, #tpu.memory_space<vmem>>) semaphore(%arg7 : memref<!tpu.dma_semaphore, #tpu.memory_space<semaphore_mem>>)
    %dma_start3A_32 = arith.constant 3 : i32
    %dma_start3A_33 = arith.constant 384 : i32
    %dma_start3A_34 = arith.constant 0 : i32
    %dma_start3A_35 = tpu.memref_slice %arg6[%dma_start3A_33, %dma_start3A_34] : memref<512x128xf32, #tpu.memory_space<vmem>> -> memref<128x128xf32, #tpu.memory_space<vmem>>
    %dma_start3A_36 = arith.constant 0 : i32
    %dma_start3A_37 = tpu.memref_slice %arg5[%dma_start3A_32, %dma_start3A_36] : memref<4x128xi32, #tpu.memory_space<vmem>> -> memref<1x128xi32, #tpu.memory_space<vmem>>
    %dma_start3A_38 = tpu.memref_squeeze %dma_start3A_37 : memref<1x128xi32, #tpu.memory_space<vmem>> -> memref<128xi32, #tpu.memory_space<vmem>>
    %dma_start3A_39 = arith.constant 0 : i32
    %dma_start3A_40 = arith.constant 0 : i32
    %dma_start3A_41 = tpu.memref_slice %arg2[%dma_start3A_39, %dma_start3A_40] : memref<4096x128xf32, #tpu.memory_space<hbm>> -> memref<4096x128xf32, #tpu.memory_space<hbm>>
    tpu.enqueue_indirect_dma source(%dma_start3A_41 : memref<4096x128xf32, #tpu.memory_space<hbm>>) target(%dma_start3A_35 : memref<128x128xf32, #tpu.memory_space<vmem>>) offsets(%dma_start3A_38 : memref<128xi32, #tpu.memory_space<vmem>>) semaphore(%arg7 : memref<!tpu.dma_semaphore, #tpu.memory_space<semaphore_mem>>)
    %dma_wait3A = arith.constant 0 : i32
    %dma_wait3A_42 = arith.constant 0 : i32
    %dma_wait3A_43 = arith.constant 0 : i32
    %dma_wait3A_44 = tpu.memref_slice %arg6[%dma_wait3A_42, %dma_wait3A_43] : memref<512x128xf32, #tpu.memory_space<vmem>> -> memref<128x128xf32, #tpu.memory_space<vmem>>
    %dma_wait3A_45 = arith.constant 0 : i32
    %dma_wait3A_46 = tpu.memref_slice %arg5[%dma_wait3A, %dma_wait3A_45] : memref<4x128xi32, #tpu.memory_space<vmem>> -> memref<1x128xi32, #tpu.memory_space<vmem>>
    %dma_wait3A_47 = tpu.memref_squeeze %dma_wait3A_46 : memref<1x128xi32, #tpu.memory_space<vmem>> -> memref<128xi32, #tpu.memory_space<vmem>>
    %dma_wait3A_48 = arith.constant 0 : i32
    %dma_wait3A_49 = arith.constant 0 : i32
    %dma_wait3A_50 = tpu.memref_slice %arg2[%dma_wait3A_48, %dma_wait3A_49] : memref<4096x128xf32, #tpu.memory_space<hbm>> -> memref<4096x128xf32, #tpu.memory_space<hbm>>
    tpu.wait_indirect_dma semaphore(%arg7 : memref<!tpu.dma_semaphore, #tpu.memory_space<semaphore_mem>>) src(%dma_wait3A_50 : memref<4096x128xf32, #tpu.memory_space<hbm>>) dst(%dma_wait3A_44 : memref<128x128xf32, #tpu.memory_space<vmem>>)
    %dma_wait3A_51 = arith.constant 1 : i32
    %dma_wait3A_52 = arith.constant 128 : i32
    %dma_wait3A_53 = arith.constant 0 : i32
    %dma_wait3A_54 = tpu.memref_slice %arg6[%dma_wait3A_52, %dma_wait3A_53] : memref<512x128xf32, #tpu.memory_space<vmem>> -> memref<128x128xf32, #tpu.memory_space<vmem>>
    %dma_wait3A_55 = arith.constant 0 : i32
    %dma_wait3A_56 = tpu.memref_slice %arg5[%dma_wait3A_51, %dma_wait3A_55] : memref<4x128xi32, #tpu.memory_space<vmem>> -> memref<1x128xi32, #tpu.memory_space<vmem>>
    %dma_wait3A_57 = tpu.memref_squeeze %dma_wait3A_56 : memref<1x128xi32, #tpu.memory_space<vmem>> -> memref<128xi32, #tpu.memory_space<vmem>>
    %dma_wait3A_58 = arith.constant 0 : i32
    %dma_wait3A_59 = arith.constant 0 : i32
    %dma_wait3A_60 = tpu.memref_slice %arg2[%dma_wait3A_58, %dma_wait3A_59] : memref<4096x128xf32, #tpu.memory_space<hbm>> -> memref<4096x128xf32, #tpu.memory_space<hbm>>
    tpu.wait_indirect_dma semaphore(%arg7 : memref<!tpu.dma_semaphore, #tpu.memory_space<semaphore_mem>>) src(%dma_wait3A_60 : memref<4096x128xf32, #tpu.memory_space<hbm>>) dst(%dma_wait3A_54 : memref<128x128xf32, #tpu.memory_space<vmem>>)
    %dma_wait3A_61 = arith.constant 2 : i32
    %dma_wait3A_62 = arith.constant 256 : i32
    %dma_wait3A_63 = arith.constant 0 : i32
    %dma_wait3A_64 = tpu.memref_slice %arg6[%dma_wait3A_62, %dma_wait3A_63] : memref<512x128xf32, #tpu.memory_space<vmem>> -> memref<128x128xf32, #tpu.memory_space<vmem>>
    %dma_wait3A_65 = arith.constant 0 : i32
    %dma_wait3A_66 = tpu.memref_slice %arg5[%dma_wait3A_61, %dma_wait3A_65] : memref<4x128xi32, #tpu.memory_space<vmem>> -> memref<1x128xi32, #tpu.memory_space<vmem>>
    %dma_wait3A_67 = tpu.memref_squeeze %dma_wait3A_66 : memref<1x128xi32, #tpu.memory_space<vmem>> -> memref<128xi32, #tpu.memory_space<vmem>>
    %dma_wait3A_68 = arith.constant 0 : i32
    %dma_wait3A_69 = arith.constant 0 : i32
    %dma_wait3A_70 = tpu.memref_slice %arg2[%dma_wait3A_68, %dma_wait3A_69] : memref<4096x128xf32, #tpu.memory_space<hbm>> -> memref<4096x128xf32, #tpu.memory_space<hbm>>
    tpu.wait_indirect_dma semaphore(%arg7 : memref<!tpu.dma_semaphore, #tpu.memory_space<semaphore_mem>>) src(%dma_wait3A_70 : memref<4096x128xf32, #tpu.memory_space<hbm>>) dst(%dma_wait3A_64 : memref<128x128xf32, #tpu.memory_space<vmem>>)
    %dma_wait3A_71 = arith.constant 3 : i32
    %dma_wait3A_72 = arith.constant 384 : i32
    %dma_wait3A_73 = arith.constant 0 : i32
    %dma_wait3A_74 = tpu.memref_slice %arg6[%dma_wait3A_72, %dma_wait3A_73] : memref<512x128xf32, #tpu.memory_space<vmem>> -> memref<128x128xf32, #tpu.memory_space<vmem>>
    %dma_wait3A_75 = arith.constant 0 : i32
    %dma_wait3A_76 = tpu.memref_slice %arg5[%dma_wait3A_71, %dma_wait3A_75] : memref<4x128xi32, #tpu.memory_space<vmem>> -> memref<1x128xi32, #tpu.memory_space<vmem>>
    %dma_wait3A_77 = tpu.memref_squeeze %dma_wait3A_76 : memref<1x128xi32, #tpu.memory_space<vmem>> -> memref<128xi32, #tpu.memory_space<vmem>>
    %dma_wait3A_78 = arith.constant 0 : i32
    %dma_wait3A_79 = arith.constant 0 : i32
    %dma_wait3A_80 = tpu.memref_slice %arg2[%dma_wait3A_78, %dma_wait3A_79] : memref<4096x128xf32, #tpu.memory_space<hbm>> -> memref<4096x128xf32, #tpu.memory_space<hbm>>
    tpu.wait_indirect_dma semaphore(%arg7 : memref<!tpu.dma_semaphore, #tpu.memory_space<semaphore_mem>>) src(%dma_wait3A_80 : memref<4096x128xf32, #tpu.memory_space<hbm>>) dst(%dma_wait3A_74 : memref<128x128xf32, #tpu.memory_space<vmem>>)
    %mul3A_81 = arith.constant 512 : i32
    %mul3A_82 = arith.muli %add3A, %mul3A_81 : i32
    "tpu.region"() ({
      %run_scoped3A = tpu.sem_alloc : memref<!tpu.dma_semaphore, #tpu.memory_space<semaphore_mem>>
      %dma_start3A_83 = arith.constant 0 : i32
      %dma_start3A_84 = tpu.memref_slice %arg4[%mul3A_82, %dma_start3A_83] : memref<16384x128xf32, #tpu.memory_space<hbm>> -> memref<512x128xf32, #tpu.memory_space<hbm>>
      %dma_start3A_85 = arith.constant 0 : i32
      %dma_start3A_86 = tpu.memref_slice %arg4[%mul3A_82, %dma_start3A_85] : memref<16384x128xf32, #tpu.memory_space<hbm>> -> memref<512x128xf32, #tpu.memory_space<hbm>>
      tpu.enqueue_dma source(%arg6 : memref<512x128xf32, #tpu.memory_space<vmem>>) target(%dma_start3A_86 : memref<512x128xf32, #tpu.memory_space<hbm>>) target_semaphore(%run_scoped3A : memref<!tpu.dma_semaphore, #tpu.memory_space<semaphore_mem>>)
      %dma_wait3A_87 = arith.constant 0 : i32
      %dma_wait3A_88 = tpu.memref_slice %arg4[%mul3A_82, %dma_wait3A_87] : memref<16384x128xf32, #tpu.memory_space<hbm>> -> memref<512x128xf32, #tpu.memory_space<hbm>>
      %dma_wait3A_89 = arith.constant 0 : i32
      %dma_wait3A_90 = tpu.memref_slice %arg4[%mul3A_82, %dma_wait3A_89] : memref<16384x128xf32, #tpu.memory_space<hbm>> -> memref<512x128xf32, #tpu.memory_space<hbm>>
      tpu.wait_dma2 semaphore(%run_scoped3A : memref<!tpu.dma_semaphore, #tpu.memory_space<semaphore_mem>>) src(%arg6 : memref<512x128xf32, #tpu.memory_space<vmem>>) dst(%dma_wait3A_90 : memref<512x128xf32, #tpu.memory_space<hbm>>)
      tpu.yield
    }) : () -> ()
    return
  }
}

module attributes {stable_mosaic.version = 14 : i64} {
  func.func @_mlp_nn_body(%arg0: i32, %arg1: memref<512x8xf32, #tpu.memory_space<vmem>>, %arg2: memref<8x4096xf32, #tpu.memory_space<vmem>>, %arg3: memref<512x128xf32, #tpu.memory_space<vmem>>, %arg4: memref<128x128xf32, #tpu.memory_space<vmem>>, %arg5: memref<1x128xf32, #tpu.memory_space<vmem>>, %arg6: memref<512x128xf32, #tpu.memory_space<vmem>>, %arg7: memref<512x1xi32, #tpu.memory_space<vmem>>) attributes {dimension_semantics = [#tpu.dimension_semantics<arbitrary>], iteration_bounds = array<i64: 32>, scalar_prefetch = 0 : i64, scratch_operands = 0 : i64, tpu.core_type = #tpu.core_type<tc>, window_params = [{transform_indices = @transform_0, window_bounds = array<i64: 512, 8>}, {pipeline_mode = #tpu.pipeline_mode<synchronous>, transform_indices = @transform_1, window_bounds = array<i64: 8, 4096>}, {transform_indices = @transform_2, window_bounds = array<i64: 512, 128>}, {pipeline_mode = #tpu.pipeline_mode<synchronous>, transform_indices = @transform_3, window_bounds = array<i64: 128, 128>}, {pipeline_mode = #tpu.pipeline_mode<synchronous>, transform_indices = @transform_4, window_bounds = array<i64: 1, 128>}, {transform_indices = @transform_5, window_bounds = array<i64: 512, 128>}, {transform_indices = @transform_6, window_bounds = array<i64: 512, 1>}]} {
    %get3A = arith.constant 0 : index
    %get3A_0 = arith.constant 0 : index
    %get3A_1 = vector.load %arg3[%get3A, %get3A_0] : memref<512x128xf32, #tpu.memory_space<vmem>>, vector<512x128xf32>
    %convert_element_type3A = arith.truncf %get3A_1 : vector<512x128xf32> to vector<512x128xbf16>
    %get3A_2 = arith.constant 0 : index
    %get3A_3 = arith.constant 0 : index
    %get3A_4 = vector.load %arg4[%get3A_2, %get3A_3] : memref<128x128xf32, #tpu.memory_space<vmem>>, vector<128x128xf32>
    %convert_element_type3A_5 = arith.truncf %get3A_4 : vector<128x128xf32> to vector<128x128xbf16>
    %dot_general3A = arith.constant dense<0.000000e+00> : vector<512x128xf32>
    %dot_general3A_6 = tpu.matmul %convert_element_type3A, %convert_element_type3A_5, %dot_general3A {dimension_numbers = #tpu.dot_dimension_numbers<[1], [0], [0], [1], [0, 0, 1, 1], [], []>, transpose_lhs_hint = false} : vector<512x128xbf16>, vector<128x128xbf16>, vector<512x128xf32> -> vector<512x128xf32>
    %get3A_7 = arith.constant 0 : index
    %get3A_8 = arith.constant 0 : index
    %get3A_9 = vector.load %arg5[%get3A_7, %get3A_8] : memref<1x128xf32, #tpu.memory_space<vmem>>, vector<1x128xf32>
    %add3A = vector.broadcast %get3A_9 : vector<1x128xf32> to vector<512x128xf32>
    %add3A_10 = arith.addf %dot_general3A_6, %add3A : vector<512x128xf32>
    %max3A = arith.constant 0.000000e+00 : f32
    %max3A_11 = vector.broadcast %max3A : f32 to vector<512x128xf32>
    %max3A_12 = arith.maximumf %add3A_10, %max3A_11 : vector<512x128xf32>
    %convert_element_type3A_13 = arith.truncf %max3A_12 : vector<512x128xf32> to vector<512x128xbf16>
    %convert_element_type3A_14 = arith.extf %convert_element_type3A_13 : vector<512x128xbf16> to vector<512x128xf32>
    %swap3A = arith.constant 0 : index
    %swap3A_15 = arith.constant 0 : index
    %swap3A_16 = vector.load %arg6[%swap3A, %swap3A_15] : memref<512x128xf32, #tpu.memory_space<vmem>>, vector<512x128xf32>
    tpu.vector_store %arg6[%swap3A, %swap3A_15], %convert_element_type3A_14 {strides = array<i32>} : memref<512x128xf32, #tpu.memory_space<vmem>>, vector<512x128xf32>,
    %get3A_17 = arith.constant 0 : index
    %get3A_18 = arith.constant 0 : index
    %get3A_19 = vector.load %arg1[%get3A_17, %get3A_18] : memref<512x8xf32, #tpu.memory_space<vmem>>, vector<512x8xf32>
    %get3A_20 = arith.constant 0 : index
    %get3A_21 = arith.constant 0 : index
    %get3A_22 = vector.load %arg2[%get3A_20, %get3A_21] : memref<8x4096xf32, #tpu.memory_space<vmem>>, vector<8x4096xf32>
    %slice3A = vector.extract_strided_slice %get3A_19 {offsets = [0, 0], sizes = [512, 1], strides = [1, 1]} : vector<512x8xf32> to vector<512x1xf32>
    %slice3A_23 = vector.extract_strided_slice %get3A_19 {offsets = [0, 1], sizes = [512, 1], strides = [1, 1]} : vector<512x8xf32> to vector<512x1xf32>
    %slice3A_24 = vector.extract_strided_slice %get3A_19 {offsets = [0, 2], sizes = [512, 1], strides = [1, 1]} : vector<512x8xf32> to vector<512x1xf32>
    %slice3A_25 = vector.extract_strided_slice %get3A_22 {offsets = [0, 0], sizes = [1, 4096], strides = [1, 1]} : vector<8x4096xf32> to vector<1x4096xf32>
    %slice3A_26 = vector.extract_strided_slice %get3A_22 {offsets = [1, 0], sizes = [1, 4096], strides = [1, 1]} : vector<8x4096xf32> to vector<1x4096xf32>
    %slice3A_27 = vector.extract_strided_slice %get3A_22 {offsets = [2, 0], sizes = [1, 4096], strides = [1, 1]} : vector<8x4096xf32> to vector<1x4096xf32>
    %mul3A = arith.mulf %slice3A, %slice3A : vector<512x1xf32>
    %mul3A_28 = arith.mulf %slice3A_24, %slice3A_24 : vector<512x1xf32>
    %add3A_29 = arith.addf %mul3A, %mul3A_28 : vector<512x1xf32>
    %mul3A_30 = arith.mulf %slice3A_23, %slice3A_23 : vector<512x1xf32>
    %add3A_31 = arith.addf %add3A_29, %mul3A_30 : vector<512x1xf32>
    %mul3A_32 = arith.mulf %slice3A_25, %slice3A_25 : vector<1x4096xf32>
    %mul3A_33 = arith.mulf %slice3A_27, %slice3A_27 : vector<1x4096xf32>
    %add3A_34 = arith.addf %mul3A_32, %mul3A_33 : vector<1x4096xf32>
    %mul3A_35 = arith.mulf %slice3A_26, %slice3A_26 : vector<1x4096xf32>
    %add3A_36 = arith.addf %add3A_34, %mul3A_35 : vector<1x4096xf32>
    %mul3A_37 = arith.constant 2.000000e+00 : f32
    %mul3A_38 = vector.broadcast %mul3A_37 : f32 to vector<512x8xf32>
    %mul3A_39 = arith.mulf %get3A_19, %mul3A_38 : vector<512x8xf32>
    %dot_general3A_40 = arith.constant dense<0.000000e+00> : vector<512x4096xf32>
    %dot_general3A_41 = tpu.matmul %mul3A_39, %get3A_22, %dot_general3A_40 {dimension_numbers = #tpu.dot_dimension_numbers<[1], [0], [0], [1], [0, 0, 1, 1], [], []>, transpose_lhs_hint = false} : vector<512x8xf32>, vector<8x4096xf32>, vector<512x4096xf32> -> vector<512x4096xf32>
    %sub3A = vector.broadcast %add3A_31 : vector<512x1xf32> to vector<512x4096xf32>
    %sub3A_42 = arith.subf %sub3A, %dot_general3A_41 : vector<512x4096xf32>
    %add3A_43 = vector.broadcast %add3A_36 : vector<1x4096xf32> to vector<512x4096xf32>
    %add3A_44 = arith.addf %sub3A_42, %add3A_43 : vector<512x4096xf32>
    %reduce_min3A = arith.constant dense<0x7F800000> : vector<512xf32>
    %reduce_min3A_45 = vector.multi_reduction <minimumf>, %add3A_44, %reduce_min3A [1] : vector<512x4096xf32> to vector<512xf32>
    %broadcast_in_dim3A = vector.shape_cast %reduce_min3A_45 : vector<512xf32> to vector<512x1xf32>
    %iota3A = tpu.iota {dimensions = array<i32: 1>} : vector<512x4096xi32>
    %eq3A = vector.broadcast %broadcast_in_dim3A : vector<512x1xf32> to vector<512x4096xf32>
    %eq3A_46 = arith.cmpf oeq, %add3A_44, %eq3A : vector<512x4096xf32>
    %jit3A = arith.constant 4096 : i32
    %broadcast_in_dim3A_47 = vector.broadcast %jit3A : i32 to vector<512x4096xi32>
    %select_n3A = arith.select %eq3A_46, %iota3A, %broadcast_in_dim3A_47 : vector<512x4096xi1>, vector<512x4096xi32>
    %reduce_min3A_48 = arith.constant dense<2147483647> : vector<512xi32>
    %reduce_min3A_49 = vector.multi_reduction <minsi>, %select_n3A, %reduce_min3A_48 [1] : vector<512x4096xi32> to vector<512xi32>
    %broadcast_in_dim3A_50 = vector.shape_cast %reduce_min3A_49 : vector<512xi32> to vector<512x1xi32>
    %swap3A_51 = arith.constant 0 : index
    %swap3A_52 = arith.constant 0 : index
    %swap3A_53 = vector.load %arg7[%swap3A_51, %swap3A_52] : memref<512x1xi32, #tpu.memory_space<vmem>>, vector<512x1xi32>
    tpu.vector_store %arg7[%swap3A_51, %swap3A_52], %broadcast_in_dim3A_50 {strides = array<i32>} : memref<512x1xi32, #tpu.memory_space<vmem>>, vector<512x1xi32>,
    return
  }
  func.func @transform_0(%arg0: i32) -> (i32, i32) {
    %c0_i32 = arith.constant 0 : i32
    %c0_i32_0 = arith.constant 0 : i32
    return %arg0, %c0_i32 : i32, i32
  }
  func.func @transform_1(%arg0: i32) -> (i32, i32) {
    %c0_i32 = arith.constant 0 : i32
    %c0_i32_0 = arith.constant 0 : i32
    %c0_i32_1 = arith.constant 0 : i32
    return %c0_i32, %c0_i32_0 : i32, i32
  }
  func.func @transform_2(%arg0: i32) -> (i32, i32) {
    %c0_i32 = arith.constant 0 : i32
    %c0_i32_0 = arith.constant 0 : i32
    return %arg0, %c0_i32 : i32, i32
  }
  func.func @transform_3(%arg0: i32) -> (i32, i32) {
    %c0_i32 = arith.constant 0 : i32
    %c0_i32_0 = arith.constant 0 : i32
    %c0_i32_1 = arith.constant 0 : i32
    return %c0_i32, %c0_i32_0 : i32, i32
  }
  func.func @transform_4(%arg0: i32) -> (i32, i32) {
    %c0_i32 = arith.constant 0 : i32
    %c0_i32_0 = arith.constant 0 : i32
    %c0_i32_1 = arith.constant 0 : i32
    return %c0_i32, %c0_i32_0 : i32, i32
  }
  func.func @transform_5(%arg0: i32) -> (i32, i32) {
    %c0_i32 = arith.constant 0 : i32
    %c0_i32_0 = arith.constant 0 : i32
    return %arg0, %c0_i32 : i32, i32
  }
  func.func @transform_6(%arg0: i32) -> (i32, i32) {
    %c0_i32 = arith.constant 0 : i32
    %c0_i32_0 = arith.constant 0 : i32
    return %arg0, %c0_i32 : i32, i32
  }
}

module attributes {stable_mosaic.version = 14 : i64} {
  func.func @_mlp1_body(%arg0: i32, %arg1: memref<512x256xf32, #tpu.memory_space<vmem>>, %arg2: memref<256x128xf32, #tpu.memory_space<vmem>>, %arg3: memref<1x128xf32, #tpu.memory_space<vmem>>, %arg4: memref<512x128xf32, #tpu.memory_space<vmem>>) attributes {dimension_semantics = [#tpu.dimension_semantics<arbitrary>], iteration_bounds = array<i64: 8>, scalar_prefetch = 0 : i64, scratch_operands = 0 : i64, tpu.core_type = #tpu.core_type<tc>, window_params = [{transform_indices = @transform_0, window_bounds = array<i64: 512, 256>}, {pipeline_mode = #tpu.pipeline_mode<synchronous>, transform_indices = @transform_1, window_bounds = array<i64: 256, 128>}, {pipeline_mode = #tpu.pipeline_mode<synchronous>, transform_indices = @transform_2, window_bounds = array<i64: 1, 128>}, {transform_indices = @transform_3, window_bounds = array<i64: 512, 128>}]} {
    %get3A = arith.constant 0 : index
    %get3A_0 = arith.constant 0 : index
    %get3A_1 = vector.load %arg1[%get3A, %get3A_0] : memref<512x256xf32, #tpu.memory_space<vmem>>, vector<512x256xf32>
    %convert_element_type3A = arith.truncf %get3A_1 : vector<512x256xf32> to vector<512x256xbf16>
    %get3A_2 = arith.constant 0 : index
    %get3A_3 = arith.constant 0 : index
    %get3A_4 = vector.load %arg2[%get3A_2, %get3A_3] : memref<256x128xf32, #tpu.memory_space<vmem>>, vector<256x128xf32>
    %convert_element_type3A_5 = arith.truncf %get3A_4 : vector<256x128xf32> to vector<256x128xbf16>
    %dot_general3A = arith.constant dense<0.000000e+00> : vector<512x128xf32>
    %dot_general3A_6 = tpu.matmul %convert_element_type3A, %convert_element_type3A_5, %dot_general3A {dimension_numbers = #tpu.dot_dimension_numbers<[1], [0], [0], [1], [0, 0, 1, 1], [], []>, transpose_lhs_hint = false} : vector<512x256xbf16>, vector<256x128xbf16>, vector<512x128xf32> -> vector<512x128xf32>
    %get3A_7 = arith.constant 0 : index
    %get3A_8 = arith.constant 0 : index
    %get3A_9 = vector.load %arg3[%get3A_7, %get3A_8] : memref<1x128xf32, #tpu.memory_space<vmem>>, vector<1x128xf32>
    %add3A = vector.broadcast %get3A_9 : vector<1x128xf32> to vector<512x128xf32>
    %add3A_10 = arith.addf %dot_general3A_6, %add3A : vector<512x128xf32>
    %max3A = arith.constant 0.000000e+00 : f32
    %max3A_11 = vector.broadcast %max3A : f32 to vector<512x128xf32>
    %max3A_12 = arith.maximumf %add3A_10, %max3A_11 : vector<512x128xf32>
    %convert_element_type3A_13 = arith.truncf %max3A_12 : vector<512x128xf32> to vector<512x128xbf16>
    %convert_element_type3A_14 = arith.extf %convert_element_type3A_13 : vector<512x128xbf16> to vector<512x128xf32>
    %swap3A = arith.constant 0 : index
    %swap3A_15 = arith.constant 0 : index
    %swap3A_16 = vector.load %arg4[%swap3A, %swap3A_15] : memref<512x128xf32, #tpu.memory_space<vmem>>, vector<512x128xf32>
    tpu.vector_store %arg4[%swap3A, %swap3A_15], %convert_element_type3A_14 {strides = array<i32>} : memref<512x128xf32, #tpu.memory_space<vmem>>, vector<512x128xf32>,
    return
  }
  func.func @transform_0(%arg0: i32) -> (i32, i32) {
    %c0_i32 = arith.constant 0 : i32
    %c0_i32_0 = arith.constant 0 : i32
    return %arg0, %c0_i32 : i32, i32
  }
  func.func @transform_1(%arg0: i32) -> (i32, i32) {
    %c0_i32 = arith.constant 0 : i32
    %c0_i32_0 = arith.constant 0 : i32
    %c0_i32_1 = arith.constant 0 : i32
    return %c0_i32, %c0_i32_0 : i32, i32
  }
  func.func @transform_2(%arg0: i32) -> (i32, i32) {
    %c0_i32 = arith.constant 0 : i32
    %c0_i32_0 = arith.constant 0 : i32
    %c0_i32_1 = arith.constant 0 : i32
    return %c0_i32, %c0_i32_0 : i32, i32
  }
  func.func @transform_3(%arg0: i32) -> (i32, i32) {
    %c0_i32 = arith.constant 0 : i32
    %c0_i32_0 = arith.constant 0 : i32
    return %arg0, %c0_i32 : i32, i32
  }
}

module attributes {stable_mosaic.version = 14 : i64} {
  func.func @_head_body(%arg0: i32, %arg1: memref<512x128xf32, #tpu.memory_space<vmem>>, %arg2: memref<512x128xf32, #tpu.memory_space<vmem>>, %arg3: memref<256x13xf32, #tpu.memory_space<vmem>>, %arg4: memref<1x13xf32, #tpu.memory_space<vmem>>, %arg5: memref<512x13xf32, #tpu.memory_space<vmem>>) attributes {dimension_semantics = [#tpu.dimension_semantics<arbitrary>], iteration_bounds = array<i64: 32>, scalar_prefetch = 0 : i64, scratch_operands = 0 : i64, tpu.core_type = #tpu.core_type<tc>, window_params = [{transform_indices = @transform_0, window_bounds = array<i64: 512, 128>}, {transform_indices = @transform_1, window_bounds = array<i64: 512, 128>}, {pipeline_mode = #tpu.pipeline_mode<synchronous>, transform_indices = @transform_2, window_bounds = array<i64: 256, 13>}, {pipeline_mode = #tpu.pipeline_mode<synchronous>, transform_indices = @transform_3, window_bounds = array<i64: 1, 13>}, {transform_indices = @transform_4, window_bounds = array<i64: 512, 13>}]} {
    %get3A = arith.constant 0 : index
    %get3A_0 = arith.constant 0 : index
    %get3A_1 = vector.load %arg1[%get3A, %get3A_0] : memref<512x128xf32, #tpu.memory_space<vmem>>, vector<512x128xf32>
    %get3A_2 = arith.constant 0 : index
    %get3A_3 = arith.constant 0 : index
    %get3A_4 = vector.load %arg2[%get3A_2, %get3A_3] : memref<512x128xf32, #tpu.memory_space<vmem>>, vector<512x128xf32>
    %concatenate3A = tpu.concatenate %get3A_1, %get3A_4 in 1 : vector<512x128xf32>, vector<512x128xf32> -> vector<512x256xf32>
    %convert_element_type3A = arith.truncf %concatenate3A : vector<512x256xf32> to vector<512x256xbf16>
    %get3A_5 = arith.constant 0 : index
    %get3A_6 = arith.constant 0 : index
    %get3A_7 = vector.load %arg3[%get3A_5, %get3A_6] : memref<256x13xf32, #tpu.memory_space<vmem>>, vector<256x13xf32>
    %convert_element_type3A_8 = arith.truncf %get3A_7 : vector<256x13xf32> to vector<256x13xbf16>
    %dot_general3A = arith.constant dense<0.000000e+00> : vector<512x13xf32>
    %dot_general3A_9 = tpu.matmul %convert_element_type3A, %convert_element_type3A_8, %dot_general3A {dimension_numbers = #tpu.dot_dimension_numbers<[1], [0], [0], [1], [0, 0, 1, 1], [], []>, transpose_lhs_hint = false} : vector<512x256xbf16>, vector<256x13xbf16>, vector<512x13xf32> -> vector<512x13xf32>
    %get3A_10 = arith.constant 0 : index
    %get3A_11 = arith.constant 0 : index
    %get3A_12 = vector.load %arg4[%get3A_10, %get3A_11] : memref<1x13xf32, #tpu.memory_space<vmem>>, vector<1x13xf32>
    %add3A = vector.broadcast %get3A_12 : vector<1x13xf32> to vector<512x13xf32>
    %add3A_13 = arith.addf %dot_general3A_9, %add3A : vector<512x13xf32>
    %swap3A = arith.constant 0 : index
    %swap3A_14 = arith.constant 0 : index
    %swap3A_15 = vector.load %arg5[%swap3A, %swap3A_14] : memref<512x13xf32, #tpu.memory_space<vmem>>, vector<512x13xf32>
    tpu.vector_store %arg5[%swap3A, %swap3A_14], %add3A_13 {strides = array<i32>} : memref<512x13xf32, #tpu.memory_space<vmem>>, vector<512x13xf32>,
    return
  }
  func.func @transform_0(%arg0: i32) -> (i32, i32) {
    %c0_i32 = arith.constant 0 : i32
    %c0_i32_0 = arith.constant 0 : i32
    return %arg0, %c0_i32 : i32, i32
  }
  func.func @transform_1(%arg0: i32) -> (i32, i32) {
    %c0_i32 = arith.constant 0 : i32
    %c0_i32_0 = arith.constant 0 : i32
    return %arg0, %c0_i32 : i32, i32
  }
  func.func @transform_2(%arg0: i32) -> (i32, i32) {
    %c0_i32 = arith.constant 0 : i32
    %c0_i32_0 = arith.constant 0 : i32
    %c0_i32_1 = arith.constant 0 : i32
    return %c0_i32, %c0_i32_0 : i32, i32
  }
  func.func @transform_3(%arg0: i32) -> (i32, i32) {
    %c0_i32 = arith.constant 0 : i32
    %c0_i32_0 = arith.constant 0 : i32
    %c0_i32_1 = arith.constant 0 : i32
    return %c0_i32, %c0_i32_0 : i32, i32
  }
  func.func @transform_4(%arg0: i32) -> (i32, i32) {
    %c0_i32 = arith.constant 0 : i32
    %c0_i32_0 = arith.constant 0 : i32
    return %arg0, %c0_i32 : i32, i32
  }
}

</mosaic_0001>

<sc_bundles>
// kernel: kernel.6.cloned.1.call-start
scs
__scs_entry_jumppad:
0x0: {  	(pc) =	sbr.rel $0x88, $3  }
0x1: {  	(tag) =	ssettag $0x0;
	lr =	simm.s32 $0x1  }
0x2: {  	[smem:$0x3F97] =	sst lr;
	_ =	strace $0xD0000000  }
0x3: {  	_ = 	snop  }
0x4: {  	_ = 	snop  }
0x5: {  	_ = 	snop  }
0x6: {  	_ = 	snop  }
0x7: {  	_ = 	snop  }
__scs_overlays_trampoline_lowered:
0x8: {  	[smem:$0x3FA6] =	sst s0  }
0x9: {  	[smem:$0x3FA7] =	sst s1  }
0xa: {  	[smem:$0x3FA8] =	sst s2  }
0xb: {  	[smem:$0x3FA9] =	sst s3  }
0xc: {  	[smem:$0x3FAA] =	sst s4  }
0xd: {  	[smem:$0x3FAB] =	sst s5  }
0xe: {  	[smem:$0x3FAC] =	sst s6  }
0xf: {  	[smem:$0x3FAD] =	sst s7  }
0x10: {  	[smem:$0x3FAE] =	sst s8  }
0x11: {  	[smem:$0x3FAF] =	sst s9;
	s0 =	simm.s32 @!p0 $0x0  }
0x12: {  	s1 =	sld [smem:$0x3F95];
	s0 =	simm.s32 @p0 $0x1  }
0x13: {  	[smem:$0x3FB0] =	sst s0;
	s0 =	simm.s32 @!p1 $0x0  }
0x14: {  	s2 =	sld [smem:$0x3F94];
	s0 =	simm.s32 @p1 $0x1  }
0x15: {  	[smem:$0x3FB1] =	sst s0;
	s0 =	simm.s32 @!p2 $0x0  }
0x16: {  	s3 =	sld [smem:$0x3FDB];
	s0 =	simm.s32 @p2 $0x1  }
0x17: {  	s4 =	simm.s32 $0x1BF5;
	[smem:$0x3FB3] =	sst s0  }
0x18: {  	s0 =	sld [smem:$0x3F96];
	_ =	swait.ge [sflag:s4], $0x0  }
0x19: {  	s7 =	sld [smem:$0x3F97]  }
0x1a: {  	s8 =	sadd.s32 $0xFFFFE003, lr  }
0x1b: {  	s9 =	sadd.s32 $0xFFFFFEF7, lr;
	s5 =	simm.s32 $0xFFFFFFFF;
	p2 =	slt.u32 s8, $0xFFFFF086  }
0x1c: {  	p1 =	slt.u32 s9, $0xF7A;
	s5 =	simm.s32 @!p2 $0x0  }
0x1d: {  	s5 =	simm.s32 @p1 $0x1;
	p0 =	seq.s32 s7, s2  }
0x1e: {  	s7 =	smul.u32 @!p0 $0xF7A, s2;
	p2 =	seq.s32 @!p0 s5, $0x0  }
0x1f: {  	s9 =	smul.u32 $0xF7A, s1;
	s8 =	simm.s32 @!p0 $0x1BF5;
	p2 =	por !p2, p0  }
0x20: {  	[sflag:s8] =	ssyncset.s32 @!p0 $0xFFFFF086;
	s6 =	sadd.s32 @!p0 s3, s7;
	s7 =	simm.s32 @!p0 $0x108  }
0x21: {  	s3 =	sadd.s32 s3, s9;
	s6 =	sadd.s32 @!p0 $0x88, s6;
	s7 =	simm.s32 @p2 $0x1082  }
0x22: {  	[simem:s7], [sflag:s8] =	dma.local @!p0 [hbm:s6], $0xF7A  }
0x23: {  	s9 =	sor.u32 $0xD0000000, s2;
	s6 =	simm.s32 $0x108;
	_ =	swait.ge @!p0 [sflag:s8], $0x0  }
0x24: {  	s3 =	sadd.s32 $0x88, s3;
	s6 =	simm.s32 @!p1 $0x1082;
	[sflag:s4] =	ssyncset.s32 $0xFFFFF086  }
0x25: {  	[simem:s6], [sflag:s4] =	dma.local [hbm:s3], $0xF7A  }
0x26: {  	[smem:$0x3F97] =	sst s1;
	(tag) =	ssettag s2;
	_ =	strace s9  }
0x27: {  	s1 =	sld [smem:$0x3FA7]  }
0x28: {  	s2 =	sld [smem:$0x3FA8]  }
0x29: {  	s4 =	sld [smem:$0x3FAA]  }
0x2a: {  	p0 =	seq.s32 s5, $0x0;
	s5 =	sld [smem:$0x3FAB]  }
0x2b: {  	s6 =	sld [smem:$0x3FAC]  }
0x2c: {  	s7 =	sld [smem:$0x3FAD]  }
0x2d: {  	s3 =	simm.s32 $0x108;
	s8 =	sld [smem:$0x3FAE]  }
0x2e: {  	s3 =	simm.s32 @!p0 $0x1082;
	s9 =	sld [smem:$0x3FAF]  }
0x2f: {  	lr =	sadd.s32 s0, s3;
	s0 =	sld [smem:$0x3FA6]  }
0x30: {  	s3 =	sld [smem:$0x3FA9]  }
0x31: {  	[smem:$0x3FB2] =	sst s10  }
0x32: {  	s10 =	sld [smem:$0x3FB0];
	_ =	sdelay $0x3  }
0x33: {  	p0 =	seq.s32 s10, $0x1;
	s10 =	sld [smem:$0x3FB2];
	_ =	sdelay $0x3  }
0x34: {  	[smem:$0x3FB2] =	sst s10  }
0x35: {  	s10 =	sld [smem:$0x3FB1];
	_ =	sdelay $0x3  }
0x36: {  	p1 =	seq.s32 s10, $0x1;
	s10 =	sld [smem:$0x3FB2];
	_ =	sdelay $0x3  }
0x37: {  	[smem:$0x3FB2] =	sst s10  }
0x38: {  	s10 =	sld [smem:$0x3FB3]  }
0x39: {  	_ = 	snop;
	(pc) =	sbr.ind lr, $3  }
0x3a: {  	_ = 	snop  }
0x3b: {  	_ = 	snop  }
0x3c: {  	p2 =	seq.s32 s10, $0x1;
	s10 =	sld [smem:$0x3FB2]  }
0x3d: {  	_ =	shalt  }
0x3e: {  	_ =	shalt  }
0x3f: {  	_ =	shalt  }
0x40: {  	_ =	shalt  }
0x41: {  	_ =	shalt  }
0x42: {  	_ =	shalt  }
0x43: {  	_ =	shalt  }
0x44: {  	_ =	shalt  }
0x45: {  	_ =	shalt  }
0x46: {  	_ =	shalt  }
0x47: {  	_ =	shalt  }
0x48: {  	_ =	shalt  }
0x49: {  	_ =	shalt  }
0x4a: {  	_ =	shalt  }
0x4b: {  	_ =	shalt  }
0x4c: {  	_ =	shalt  }
0x4d: {  	_ =	shalt  }
0x4e: {  	_ =	shalt  }
0x4f: {  	_ =	shalt  }
0x50: {  	_ =	shalt  }
0x51: {  	_ =	shalt  }
0x52: {  	_ =	shalt  }
0x53: {  	_ =	shalt  }
0x54: {  	_ =	shalt  }
0x55: {  	_ =	shalt  }
0x56: {  	_ =	shalt  }
0x57: {  	_ =	shalt  }
0x58: {  	_ =	shalt  }
0x59: {  	_ =	shalt  }
0x5a: {  	_ =	shalt  }
0x5b: {  	_ =	shalt  }
0x5c: {  	_ =	shalt  }
0x5d: {  	_ =	shalt  }
0x5e: {  	_ =	shalt  }
0x5f: {  	_ =	shalt  }
0x60: {  	_ =	shalt  }
0x61: {  	_ =	shalt  }
0x62: {  	_ =	shalt  }
0x63: {  	_ =	shalt  }
0x64: {  	_ =	shalt  }
0x65: {  	_ =	shalt  }
0x66: {  	_ =	shalt  }
0x67: {  	_ =	shalt  }
0x68: {  	_ =	shalt  }
0x69: {  	_ =	shalt  }
0x6a: {  	_ =	shalt  }
0x6b: {  	_ =	shalt  }
0x6c: {  	_ =	shalt  }
0x6d: {  	_ =	shalt  }
0x6e: {  	_ =	shalt  }
0x6f: {  	_ =	shalt  }
0x70: {  	_ =	shalt  }
0x71: {  	_ =	shalt  }
0x72: {  	_ =	shalt  }
0x73: {  	_ =	shalt  }
0x74: {  	_ =	shalt  }
0x75: {  	_ =	shalt  }
0x76: {  	_ =	shalt  }
0x77: {  	_ =	shalt  }
0x78: {  	_ =	shalt  }
0x79: {  	_ =	shalt  }
0x7a: {  	_ =	shalt  }
0x7b: {  	_ =	shalt  }
0x7c: {  	_ =	shalt  }
0x7d: {  	_ =	shalt  }
0x7e: {  	_ =	shalt  }
0x7f: {  	_ =	shalt  }
0x80: {  	_ =	shalt  }
0x81: {  	_ =	shalt  }
0x82: {  	_ =	shalt  }
0x83: {  	_ =	shalt  }
0x84: {  	_ =	shalt  }
0x85: {  	_ =	shalt  }
0x86: {  	_ =	shalt  }
0x87: {  	_ =	shalt  }
.Lfunc_end0:
.L_simem_size_0:
called_computation_lowered:
.L_overlay_start_0:
0x88: {  	s2 =	sld [smem:$0x3FD9]  }
0x89: {  	s3 =	sld [smem:$0x3FFE];
	_ =	sdelay $0x1  }
0x8a: {  	s1 =	srdreg.scid  }
0x8b: {  	s0 =	sand.u32 $0x1, s1  }
0x8c: {  	s17 =	sshll.u32 s0, $0xA;
	s2 =	sadd.s32 s3, s2  }
0x8d: {  	s2 =	sadd.s32 s2, s17  }
0x8e: {  	[smem:$0x3FBE] =	sst s2  }
0x8f: {  	_ = 	snop  }
0x90: {  	s2 =	sld [smem:$0x3FD0];
	(tm) =	ssettm $0x1  }
0x91: {  	s18 =	sld [smem:$0x3FFB];
	_ =	sdelay $0x3  }
0x92: {  	_ =	strace s18  }
0x93: {  	s3 =	sld [smem:$0x3FFC];
	_ =	sdelay $0x3  }
0x94: {  	_ =	strace s3  }
0x95: {  	s3 =	sld [smem:$0x3FFD];
	_ =	sdelay $0x3  }
0x96: {  	_ =	strace s3  }
0x97: {  	_ =	strace $0x8FFFFFFF  }
0x98: {  	s19 =	sld [smem:$0x3FDB];
	_ =	sdelay $0x1  }
0x99: {  	s4 =	simm.s32 $_scs_section_size  }
0x9a: {  	s5 =	simm.s32 $_size__tile_overlayer_lowered;
	s6 =	simm.s32 $_tile_overlayer_lowered  }
0x9b: {  	s22 =	simm.s32 $0x1BFF;
	s21 =	sshll.u32 s6, $0x1;
	s3 =	sadd.s32 s4, s19  }
0x9c: {  	s7 =	simm.s32 $0x0;
	s20 =	sshll.u32 s5, $0x1;
	s5 =	sadd.s32 s21, s3  }
0x9d: {  	[timem:s7], [sflag:s22] =	dma.local [hbm:s5], s20  }
0x9e: {  	_ =	swait.ge [sflag:s22], s20  }
0x9f: {  	s4 =	ssub.s32 $0x0, s20;
	[sflag:s22] =	ssyncset.done $0x0  }
0xa0: {  	[sflag:s22] =	ssyncadd.s32 s4;
	_ =	sdelay $0x1  }
0xa1: {  	s23 =	simm.s32 $0x1B8B  }
0xa2: {  	_ =	swait.ge [sflag:s23], $0x1  }
0xa3: {  	[sflag:s23] =	ssyncset.done $0x0  }
0xa4: {  	s25 =	simm.s32 $0x1B8E;
	s24 =	sld [smem:$0x3FFE];
	[sflag:s23] =	ssyncadd.s32 $0xFFFFFFFF  }
0xa5: {  	s26 =	simm.s32 $execute0_lowered;
	[smem:$0x3FD2] =	sst s25  }
0xa6: {  	s5 =	sshll.u32 s26, $0x1;
	_ =	strace $0x80000046;
	[dreg:$0x1] =	wrdreg $0xFFFFFFFF  }
0xa7: {  	s28 =	simm.s32 $_size_execute0_lowered;
	s3 =	sadd.s32 s3, s5;
	[dreg:$0x0] =	wrdreg $0x0  }
0xa8: {  	s5 =	sshll.u32 s28, $0x1;
	[dreg:$0x2] =	wrdreg s3  }
0xa9: {  	[dreg:$0x3] =	wrdreg s5  }
0xaa: {  	[dreg:$0x4] =	wrdreg $0xC0  }
0xab: {  	_ =	task [dreg:s7], $0x5FFFF  }
0xac: {  	[dreg:$0x1] =	wrdreg $0xFFFFFFFF  }
0xad: {  	[dreg:$0x0] =	wrdreg $0x60  }
0xae: {  	[dreg:$0x2] =	wrdreg s24  }
0xaf: {  	[dreg:$0x3] =	wrdreg s2  }
0xb0: {  	[dreg:$0x4] =	wrdreg $0x9  }
0xb1: {  	_ =	task.clear_ibuf [dreg:s7], $0x5FFFF;
	_ =	strace $0x90000046  }
0xb2: {  	s29 =	simm.s32 $0x9;
	_ =	strace $0x80000048  }
0xb3: {  	_ =	swait.ge [sflag:s29], $0x1  }
0xb4: {  	[sflag:s29] =	ssyncadd.s32 $0xFFFFFFFF  }
0xb5: {  	_ =	strace $0x90000048  }
0xb6: {  	_ =	sfence  }
0xb7: {  	s30 =	sld [smem:$0x0];
	_ =	sdelay $0x2  }
0xb8: {  	s31 =	sshll.u32 s1, $0xD;
	s1 =	sshrl.u32 s1, $0x2  }
0xb9: {  	s3 =	sand.u32 $0x4000, s31;
	s1 =	sadd.s32 s1, s30  }
0xba: {  	s0 =	sor.u32 s3, s0;
	s1 =	sshll.u32 s1, $0x11  }
0xbb: {  	s0 =	sor.u32 s1, s0  }
0xbc: {  	s0 =	sadd.s32 $0x8F2B, s0  }
0xbd: {  	[sflag:s0] =	ssyncadd.remote.s32 $0x1  }
0xbe: {  	_ =	sfence.sel $0xFFFF  }
0xbf: {  	[dreg:$0x0] =	wrdreg $0xFFFFFFFF;
	(pc) =	sbr.abs _section_cstart, $3  }
0xc0: {  	[dreg:$0x1] =	wrdreg $0xFFFFFFFF  }
0xc1: {  	_ =	task.clear_ibuf [dreg:s7], $0x2FFFF;
	_ =	strace $0x9FFFFFFF  }
0xc2: {  	(tm) =	ssettm $0x7FFFFFFF  }
0xc3: {  	_ =	shalt  }
tec
execute0_lowered:
.L_overlay_start_1:
0x0: {  	(tag) =	ssettag $0x1  }
0x1: {  	s14 =	rddreg [dreg:$0x0]  }
0x2: {  	s3 =	rddreg [dreg:$0x1];
	s1 =	srdreg.scid  }
0x3: {  	s0 =	rddreg [dreg:$0x2];
	s15 =	sand.u32 $0x1, s1  }
0x4: {  	s2 =	simm.s32 $0x0;
	s1 =	stileid.u32;
	s4 =	sshll.u32 s15, $0x6  }
0x5: {  	[smem:$0x7FF] =	sst s2;
	s5 =	sshll.u32 s1, $0x7;
	s3 =	sadd.s32 s3, s4  }
0x6: {  	_ =	strace $0x80000047;
	s4 =	sadd.s32 s5, s3;
	s3 =	simm.s32 $0x2  }
0x7: {  	[tilespmem:s2], [sflag:$0x2] =	stream.linear.gather [hbm4b:s4+s2], $0x200, $0x38;
	[tilespmem:$0x10200] =	vst v63  }
0x8: {  	_ =	swait.ge [sflag:s3], $0x200  }
0x9: {  	s6 =	simm.s32 $0x80;
	[sflag:s3] =	ssyncset.done $0x0  }
0xa: {  	s7 =	simm.s32 $0x200;
	s5 =	sadd.s32 $0x1400, s14;
	[sflag:s3] =	ssyncadd.s32 $0xFFFFFE00  }
0xb: {  	[tilespmem:s7], [sflag:$0x1] =	stream.indirect.gather [hbm4b:s5+s6], $0x80, s2, s6, $0xb8;
	[tilespmem:$0x10200] =	vst v63  }
0xc: {  	s8 =	simm.s32 $0x4200  }
0xd: {  	[tilespmem:s8], [sflag:$0x1] =	stream.indirect.gather [hbm4b:s5+s6], $0x80, s6, s6, $0xb8;
	[tilespmem:$0x10200] =	vst v63  }
0xe: {  	s9 =	simm.s32 $0x100;
	s10 =	simm.s32 $0x8200  }
0xf: {  	[tilespmem:s10], [sflag:$0x1] =	stream.indirect.gather [hbm4b:s5+s6], $0x80, s9, s6, $0xb8;
	[tilespmem:$0x10200] =	vst v63  }
0x10: {  	s11 =	simm.s32 $0x180;
	s12 =	simm.s32 $0xC200;
	s13 =	simm.s32 $0x1  }
0x11: {  	[tilespmem:s12], [sflag:$0x1] =	stream.indirect.gather [hbm4b:s5+s6], $0x80, s11, s6, $0xb8;
	[tilespmem:$0x10200] =	vst v63  }
0x12: {  	_ =	swait.ge [sflag:s13], $0x4000  }
0x13: {  	[sflag:s13] =	ssyncset.done $0x0  }
0x14: {  	[sflag:s13] =	ssyncadd.s32 $0xFFFFC000  }
0x15: {  	_ =	swait.ge [sflag:s13], $0x4000  }
0x16: {  	[sflag:s13] =	ssyncset.done $0x0  }
0x17: {  	s16 =	sshll.u32 s15, $0xD;
	s15 =	ssub.s32 $0x2, s15;
	[sflag:s13] =	ssyncadd.s32 $0xFFFFC000  }
0x18: {  	s31 =	sshrl.u32 s15, $0x1;
	_ =	swait.ge [sflag:s13], $0x4000  }
0x19: {  	s15 =	ssub.s32 s15, s31;
	[sflag:s13] =	ssyncset.done $0x0  }
0x1a: {  	s17 =	sshll.u32 s1, $0xE;
	s15 =	smax.u32 s15, $0x1;
	[sflag:s13] =	ssyncadd.s32 $0xFFFFC000  }
0x1b: {  	s14 =	sadd.s32 s16, s14;
	p0 =	sne.s32 s15, $0x1;
	_ =	swait.ge [sflag:s13], $0x4000  }
.Ltmp0:
0x1c: {  	s14 =	sadd.s32 s17, s14;
	[sflag:s13] =	ssyncset.done $0x0;
	(pc) =	sbr.rel @!p0 .LBB2_2-.Ltmp0, $4  }
0x1d: {  	s14 =	sadd.s32 $0x11400, s14;
	[sflag:s13] =	ssyncadd.s32 $0xFFFFC000  }
0x1e: {  	[hbm4b:s14+s2] =	stream.linear.scatter [tilespmem:s7], [sflag:$0x2], $0x10000, $0x38;
	[tilespmem:$0x10200] =	vst v63  }
0x1f: {  	_ =	swait.ge [sflag:s3], $0x10000  }
0x20: {  	s15 =	sadd.s32 $0xFFFFFFFF, s15;
	[sflag:s3] =	ssyncset.done $0x0  }
.LBB2_1:
0x21: {  	p0 =	sne.s32 s15, $0x1;
	s15 =	sadd.s32 $0xFFFFFFFF, s15;
	[sflag:s3] =	ssyncadd.s32 $0xFFFF0000  }
0x22: {  	[tilespmem:s2], [sflag:$0x2] =	stream.linear.gather [hbm4b:s4+s2], $0x200, $0x38;
	[tilespmem:$0x10200] =	vst v63  }
0x23: {  	_ =	swait.ge [sflag:s3], $0x200  }
0x24: {  	[sflag:s3] =	ssyncset.done $0x0  }
0x25: {  	[sflag:s3] =	ssyncadd.s32 $0xFFFFFE00  }
0x26: {  	[tilespmem:s7], [sflag:$0x1] =	stream.indirect.gather [hbm4b:s5+s6], $0x80, s2, s6, $0xb8;
	[tilespmem:$0x10200] =	vst v63  }
0x27: {  	_ = 	snop  }
0x28: {  	[tilespmem:s8], [sflag:$0x1] =	stream.indirect.gather [hbm4b:s5+s6], $0x80, s6, s6, $0xb8;
	[tilespmem:$0x10200] =	vst v63  }
0x29: {  	_ = 	snop  }
0x2a: {  	[tilespmem:s10], [sflag:$0x1] =	stream.indirect.gather [hbm4b:s5+s6], $0x80, s9, s6, $0xb8;
	[tilespmem:$0x10200] =	vst v63  }
0x2b: {  	_ = 	snop  }
0x2c: {  	[tilespmem:s12], [sflag:$0x1] =	stream.indirect.gather [hbm4b:s5+s6], $0x80, s11, s6, $0xb8;
	[tilespmem:$0x10200] =	vst v63  }
0x2d: {  	_ =	swait.ge [sflag:s13], $0x4000  }
0x2e: {  	[sflag:s13] =	ssyncset.done $0x0  }
0x2f: {  	[sflag:s13] =	ssyncadd.s32 $0xFFFFC000  }
0x30: {  	_ =	swait.ge [sflag:s13], $0x4000  }
0x31: {  	[sflag:s13] =	ssyncset.done $0x0  }
0x32: {  	[sflag:s13] =	ssyncadd.s32 $0xFFFFC000  }
0x33: {  	_ =	swait.ge [sflag:s13], $0x4000  }
0x34: {  	[sflag:s13] =	ssyncset.done $0x0  }
0x35: {  	[sflag:s13] =	ssyncadd.s32 $0xFFFFC000  }
0x36: {  	_ =	swait.ge [sflag:s13], $0x4000  }
.Ltmp1:
0x37: {  	[sflag:s13] =	ssyncset.done $0x0;
	(pc) =	sbr.rel @p0 .LBB2_1-.Ltmp1, $4  }
0x38: {  	[sflag:s13] =	ssyncadd.s32 $0xFFFFC000  }
0x39: {  	[hbm4b:s14+s2] =	stream.linear.scatter [tilespmem:s7], [sflag:$0x2], $0x10000, $0x38;
	[tilespmem:$0x10200] =	vst v63  }
0x3a: {  	_ =	swait.ge [sflag:s3], $0x10000  }
0x3b: {  	[sflag:s3] =	ssyncset.done $0x0  }
.LBB2_2:
0x3c: {  	[sflag:s3] =	ssyncadd.s32 $0xFFFF0000  }
0x3d: {  	_ =	sfence.sel $0x180000  }
0x3e: {  	[bflag:$0x0] =	sbarrier.arrive $0xFFFF  }
0x3f: {  	p0 =	sne.s32 s1, $0x0;
	_ =	strace $0x90000047  }
0x40: {  	s0 =	sadd.s32 @!p0 $0x100000, s0;
	[bflag:$0x2] =	sbarrier.arrive $0xFFFF  }
0x41: {  	[sflag:s0] =	ssyncadd.tile.s32 @!p0 $0x1;
	_ =	shalt  }
.Lfunc_end2:
_tile_overlayer_lowered:
.L_overlay_start_2:
0x42: {  	(tag) =	ssettag $0x2  }
0x43: {  	s0 =	rddreg [dreg:$0x0];
	s2 =	stileid.u32  }
0x44: {  	s1 =	rddreg [dreg:$0x1];
	p0 =	sne.s32 s2, $0x0  }
0x45: {  	s3 =	rddreg [dreg:$0x2];
	[bflag:$0x3] =	sbarrier.arrive $0xFFFF;
	s2 =	simm.s32 @!p0 $0x1C02  }
0x46: {  	[timem:s3], [sflag:s2] =	dma.local @!p0 [hbm:s0], s1  }
0x47: {  	s0 =	simm.s32 @!p0 $0x2  }
0x48: {  	_ =	swait.ge @!p0 [sflag:s0], s1  }
0x49: {  	s1 =	ssub.s32 @!p0 $0x0, s1;
	[sflag:s0] =	ssyncset.done @!p0 $0x0  }
0x4a: {  	[sflag:s0] =	ssyncadd.s32 @!p0 s1  }
0x4b: {  	[bflag:$0x3] =	sbarrier.arrive $0xFFFF  }
0x4c: {  	_ =	shalt  }

</sc_bundles>
